<compile_context>
chip_gen: v7x
topology: tpu7x:2x2x1
jax: 0.10.2.dev20260603
libtpu: 0.0.44.dev20260713+nightly
codegen_flags: <defaults>
</compile_context>

<pallas_src>
import functools

import jax
import jax.numpy as jnp
from jax import lax
from jax.experimental import pallas as pl
from jax.experimental.pallas import tpu as pltpu
from jax.experimental.pallas import tpu_sc as plsc

_BATCH = 16384
_EMBED = 32
_NC = 2
_NS = 16
_NW = _NC * _NS
_CHUNK = _BATCH // _NW
_L = 16
_IDXC = 128
_NIDX = _CHUNK // _IDXC
_GROUPS = _CHUNK // _L

_PROJ_BLOCK = 131072


def _proj_body(x_ref, w_ref, o_ref):
    x = x_ref[...]
    w = w_ref[...]
    o_ref[...] = jnp.sum(x * w, axis=0)


def _project(table_t, w_col, n_pad):
    n = table_t.shape[1]
    grid = (n_pad + _PROJ_BLOCK - 1) // _PROJ_BLOCK
    return pl.pallas_call(
        _proj_body,
        grid=(grid,),
        in_specs=[
            pl.BlockSpec((_EMBED, _PROJ_BLOCK), lambda i: (0, i)),
            pl.BlockSpec((_EMBED, 1), lambda i: (0, 0)),
        ],
        out_specs=pl.BlockSpec((_PROJ_BLOCK,), lambda i: (i,)),
        out_shape=jax.ShapeDtypeStruct((n_pad,), jnp.float32),
        compiler_params=pltpu.CompilerParams(
            vmem_limit_bytes=60 * 1024 * 1024),
    )(table_t, w_col)


def _sc_body(user_idx_hbm, item_idx_hbm, pu_hbm, pi_hbm, b_hbm, out_hbm,
             idx_u, idx_i, pu_v, pi_v, b_v, out_v, sem):
    wid = lax.axis_index("s") * _NC + lax.axis_index("c")
    base = wid * _CHUNK

    pltpu.sync_copy(user_idx_hbm.at[pl.ds(wid * _NIDX, _NIDX)], idx_u)
    pltpu.sync_copy(item_idx_hbm.at[pl.ds(wid * _NIDX, _NIDX)], idx_i)
    pltpu.sync_copy(b_hbm, b_v)

    copies = []
    for k in range(_NIDX):
        copies.append(pltpu.async_copy(
            pu_hbm.at[idx_u.at[k]], pu_v.at[pl.ds(k * _IDXC, _IDXC)], sem))
        copies.append(pltpu.async_copy(
            pi_hbm.at[idx_i.at[k]], pi_v.at[pl.ds(k * _IDXC, _IDXC)], sem))
    for c in copies:
        c.wait()

    bias = b_v[pl.ds(0, _L)][0]

    def group(g, carry):
        z = pu_v[pl.ds(g * _L, _L)] + pi_v[pl.ds(g * _L, _L)] + bias
        out_v[pl.ds(g * _L, _L)] = 1.0 / (1.0 + jnp.exp(-z))
        return carry

    lax.fori_loop(0, _GROUPS, group, 0)

    pltpu.sync_copy(out_v, out_hbm.at[pl.ds(base, _CHUNK)])


@jax.jit
def _recommender(user_idx, item_idx, user_table, item_table, W, b):
    w_u = W[:_EMBED]
    w_i = W[_EMBED:]
    p_u = _project(user_table.T, w_u, 1000448)
    p_i = _project(item_table.T, w_i, 100352)
    b_pad = jnp.broadcast_to(b.reshape(1), (_L,))

    mesh = plsc.VectorSubcoreMesh(
        core_axis_name="c", subcore_axis_name="s",
        num_cores=_NC, num_subcores=_NS)
    run = functools.partial(
        pl.kernel,
        out_type=jax.ShapeDtypeStruct((_BATCH,), jnp.float32),
        mesh=mesh,
        scratch_types=[
            pltpu.VMEM((_NIDX, _IDXC), jnp.int32),
            pltpu.VMEM((_NIDX, _IDXC), jnp.int32),
            pltpu.VMEM((_CHUNK,), jnp.float32),
            pltpu.VMEM((_CHUNK,), jnp.float32),
            pltpu.VMEM((_L,), jnp.float32),
            pltpu.VMEM((_CHUNK,), jnp.float32),
            pltpu.SemaphoreType.DMA,
        ],
        compiler_params=pltpu.CompilerParams(
            needs_layout_passes=False, use_tc_tiling_on_sc=False),
    )(_sc_body)
    return run(user_idx, item_idx, p_u, p_i, b_pad)


def kernel(user_input, item_input, user_table, item_table, W, b):
    ui = user_input.astype(jnp.int32).reshape(_NW * _NIDX, _IDXC)
    ii = item_input.astype(jnp.int32).reshape(_NW * _NIDX, _IDXC)
    out = _recommender(ui, ii, user_table, item_table, W, b)
    return out.reshape(_BATCH, 1)

# --- scband reference (transcript-rebuilt; emitter-appended) ---
"""Pipeline reference for scband-recommender-24318104830607 (READ-ONLY COPY).

The authoritative reference and input builder live on the scoring server;
editing this copy changes nothing except your own understanding.
"""

import jax, jax.numpy as jnp
import numpy as np

NUM_USERS = 1000000
NUM_ITEMS = 100000
EMBED = 32
BATCH = 16384

def setup_inputs(seed: int = 0) -> dict:
    key = jax.random.key(seed)
    k1, k2, k3, k4, k5, k6 = jax.random.split(key, 6)
    user_input = jax.random.randint(k1, (BATCH,), 0, NUM_USERS, dtype=jnp.int64 if jax.config.jax_enable_x64 else jnp.int32)
    item_input = jax.random.randint(k2, (BATCH,), 0, NUM_ITEMS, dtype=jnp.int64 if jax.config.jax_enable_x64 else jnp.int32)
    user_table = jax.random.normal(k3, (NUM_USERS, EMBED), dtype=jnp.float32)
    item_table = jax.random.normal(k4, (NUM_ITEMS, EMBED), dtype=jnp.float32)
    W = jax.random.normal(k5, (2 * EMBED, 1), dtype=jnp.float32) * (1.0 / np.sqrt(2 * EMBED))
    b = jax.random.normal(k6, (1,), dtype=jnp.float32) * 0.01
    return {"user_input": user_input, "item_input": item_input, "user_table": user_table, "item_table": item_table, "W": W, "b": b}

def reference(user_input, item_input, user_table, item_table, W, b):
    # embedding lookups (gather)
    user_embedded = jnp.take(user_table, user_input, axis=0)  # [B, E]
    item_embedded = jnp.take(item_table, item_input, axis=0)  # [B, E]
    # flatten is identity on [B, E]
    concat = jnp.concatenate((user_embedded, item_embedded), axis=1)  # [B, 2E]
    output = concat @ W + b  # [B, 1]
    output = jax.nn.sigmoid(output)
    return output

if __name__ == "__main__":
    import jax
    _d = setup_inputs()
    print(jax.jit(kernel)(*tuple(_d.values())))

</pallas_src>

<mosaic_0001>
#map = affine_map<(d0, d1) -> (0, 0)>
#map1 = affine_map<(d0, d1) -> (0)>
module attributes {stable_mosaic.version = 14 : i64} {
  func.func @_sc_body(%arg0: i32, %arg1: i32, %arg2: memref<128x128xi32, #tpu.memory_space<hbm>>, %arg3: memref<128x128xi32, #tpu.memory_space<hbm>>, %arg4: memref<1000448xf32, #tpu.memory_space<hbm>>, %arg5: memref<100352xf32, #tpu.memory_space<hbm>>, %arg6: memref<16xf32, #tpu.memory_space<hbm>>, %arg7: memref<16384xf32, #tpu.memory_space<hbm>>, %arg8: memref<4x128xi32, #tpu.memory_space<vmem>>, %arg9: memref<4x128xi32, #tpu.memory_space<vmem>>, %arg10: memref<512xf32, #tpu.memory_space<vmem>>, %arg11: memref<512xf32, #tpu.memory_space<vmem>>, %arg12: memref<16xf32, #tpu.memory_space<vmem>>, %arg13: memref<512xf32, #tpu.memory_space<vmem>>, %arg14: memref<!tpu.dma_semaphore, #tpu.memory_space<semaphore_mem>>) attributes {dimension_semantics = [#tpu.dimension_semantics<core_parallel>, #tpu.dimension_semantics<subcore_parallel>], iteration_bounds = array<i64: 2, 16>, scalar_prefetch = 0 : i64, scratch_operands = 7 : i64, tpu.core_type = #tpu.core_type<sc_vector_subcore>, window_params = [{transform_indices = #map}, {transform_indices = #map}, {transform_indices = #map1}, {transform_indices = #map1}, {transform_indices = #map1}, {transform_indices = #map1}]} {
    %mul3A = arith.constant 2 : i32
    %mul3A_0 = arith.muli %arg1, %mul3A : i32
    %add3A = arith.addi %mul3A_0, %arg0 : i32
    %mul3A_1 = arith.constant 512 : i32
    %mul3A_2 = arith.muli %add3A, %mul3A_1 : i32
    %mul3A_3 = arith.constant 4 : i32
    %mul3A_4 = arith.muli %add3A, %mul3A_3 : i32
    "tpu.region"() ({
      %run_scoped3A = tpu.sem_alloc : memref<!tpu.dma_semaphore, #tpu.memory_space<semaphore_mem>>
      %dma_start3A_139 = arith.constant 0 : i32
      %dma_start3A_140 = tpu.memref_slice %arg2[%mul3A_4, %dma_start3A_139] : memref<128x128xi32, #tpu.memory_space<hbm>> -> memref<4x128xi32, #tpu.memory_space<hbm>>
      %dma_start3A_141 = arith.constant 0 : i32
      %dma_start3A_142 = tpu.memref_slice %arg2[%mul3A_4, %dma_start3A_141] : memref<128x128xi32, #tpu.memory_space<hbm>> -> memref<4x128xi32, #tpu.memory_space<hbm>>
      tpu.enqueue_dma source(%dma_start3A_142 : memref<4x128xi32, #tpu.memory_space<hbm>>) target(%arg8 : memref<4x128xi32, #tpu.memory_space<vmem>>) target_semaphore(%run_scoped3A : memref<!tpu.dma_semaphore, #tpu.memory_space<semaphore_mem>>)
      %dma_wait3A_143 = arith.constant 0 : i32
      %dma_wait3A_144 = tpu.memref_slice %arg2[%mul3A_4, %dma_wait3A_143] : memref<128x128xi32, #tpu.memory_space<hbm>> -> memref<4x128xi32, #tpu.memory_space<hbm>>
      %dma_wait3A_145 = arith.constant 0 : i32
      %dma_wait3A_146 = tpu.memref_slice %arg2[%mul3A_4, %dma_wait3A_145] : memref<128x128xi32, #tpu.memory_space<hbm>> -> memref<4x128xi32, #tpu.memory_space<hbm>>
      tpu.wait_dma2 semaphore(%run_scoped3A : memref<!tpu.dma_semaphore, #tpu.memory_space<semaphore_mem>>) src(%dma_wait3A_146 : memref<4x128xi32, #tpu.memory_space<hbm>>) dst(%arg8 : memref<4x128xi32, #tpu.memory_space<vmem>>)
      tpu.yield
    }) : () -> ()
    %mul3A_5 = arith.constant 4 : i32
    %mul3A_6 = arith.muli %add3A, %mul3A_5 : i32
    "tpu.region"() ({
      %run_scoped3A = tpu.sem_alloc : memref<!tpu.dma_semaphore, #tpu.memory_space<semaphore_mem>>
      %dma_start3A_139 = arith.constant 0 : i32
      %dma_start3A_140 = tpu.memref_slice %arg3[%mul3A_6, %dma_start3A_139] : memref<128x128xi32, #tpu.memory_space<hbm>> -> memref<4x128xi32, #tpu.memory_space<hbm>>
      %dma_start3A_141 = arith.constant 0 : i32
      %dma_start3A_142 = tpu.memref_slice %arg3[%mul3A_6, %dma_start3A_141] : memref<128x128xi32, #tpu.memory_space<hbm>> -> memref<4x128xi32, #tpu.memory_space<hbm>>
      tpu.enqueue_dma source(%dma_start3A_142 : memref<4x128xi32, #tpu.memory_space<hbm>>) target(%arg9 : memref<4x128xi32, #tpu.memory_space<vmem>>) target_semaphore(%run_scoped3A : memref<!tpu.dma_semaphore, #tpu.memory_space<semaphore_mem>>)
      %dma_wait3A_143 = arith.constant 0 : i32
      %dma_wait3A_144 = tpu.memref_slice %arg3[%mul3A_6, %dma_wait3A_143] : memref<128x128xi32, #tpu.memory_space<hbm>> -> memref<4x128xi32, #tpu.memory_space<hbm>>
      %dma_wait3A_145 = arith.constant 0 : i32
      %dma_wait3A_146 = tpu.memref_slice %arg3[%mul3A_6, %dma_wait3A_145] : memref<128x128xi32, #tpu.memory_space<hbm>> -> memref<4x128xi32, #tpu.memory_space<hbm>>
      tpu.wait_dma2 semaphore(%run_scoped3A : memref<!tpu.dma_semaphore, #tpu.memory_space<semaphore_mem>>) src(%dma_wait3A_146 : memref<4x128xi32, #tpu.memory_space<hbm>>) dst(%arg9 : memref<4x128xi32, #tpu.memory_space<vmem>>)
      tpu.yield
    }) : () -> ()
    "tpu.region"() ({
      %run_scoped3A = tpu.sem_alloc : memref<!tpu.dma_semaphore, #tpu.memory_space<semaphore_mem>>
      tpu.enqueue_dma source(%arg6 : memref<16xf32, #tpu.memory_space<hbm>>) target(%arg12 : memref<16xf32, #tpu.memory_space<vmem>>) target_semaphore(%run_scoped3A : memref<!tpu.dma_semaphore, #tpu.memory_space<semaphore_mem>>)
      tpu.wait_dma2 semaphore(%run_scoped3A : memref<!tpu.dma_semaphore, #tpu.memory_space<semaphore_mem>>) src(%arg6 : memref<16xf32, #tpu.memory_space<hbm>>) dst(%arg12 : memref<16xf32, #tpu.memory_space<vmem>>)
      tpu.yield
    }) : () -> ()
    %dma_start3A = arith.constant 0 : i32
    %dma_start3A_7 = arith.constant 0 : i32
    %dma_start3A_8 = tpu.memref_slice %arg10[%dma_start3A_7] : memref<512xf32, #tpu.memory_space<vmem>> -> memref<128xf32, #tpu.memory_space<vmem>>
    %dma_start3A_9 = arith.constant 0 : i32
    %dma_start3A_10 = tpu.memref_slice %arg8[%dma_start3A, %dma_start3A_9] : memref<4x128xi32, #tpu.memory_space<vmem>> -> memref<1x128xi32, #tpu.memory_space<vmem>>
    %dma_start3A_11 = tpu.memref_squeeze %dma_start3A_10 : memref<1x128xi32, #tpu.memory_space<vmem>> -> memref<128xi32, #tpu.memory_space<vmem>>
    %dma_start3A_12 = arith.constant 0 : i32
    %dma_start3A_13 = tpu.memref_slice %arg4[%dma_start3A_12] : memref<1000448xf32, #tpu.memory_space<hbm>> -> memref<1000448xf32, #tpu.memory_space<hbm>>
    tpu.enqueue_indirect_dma source(%dma_start3A_13 : memref<1000448xf32, #tpu.memory_space<hbm>>) target(%dma_start3A_8 : memref<128xf32, #tpu.memory_space<vmem>>) offsets(%dma_start3A_11 : memref<128xi32, #tpu.memory_space<vmem>>) semaphore(%arg14 : memref<!tpu.dma_semaphore, #tpu.memory_space<semaphore_mem>>)
    %dma_start3A_14 = arith.constant 0 : i32
    %dma_start3A_15 = arith.constant 0 : i32
    %dma_start3A_16 = tpu.memref_slice %arg11[%dma_start3A_15] : memref<512xf32, #tpu.memory_space<vmem>> -> memref<128xf32, #tpu.memory_space<vmem>>
    %dma_start3A_17 = arith.constant 0 : i32
    %dma_start3A_18 = tpu.memref_slice %arg9[%dma_start3A_14, %dma_start3A_17] : memref<4x128xi32, #tpu.memory_space<vmem>> -> memref<1x128xi32, #tpu.memory_space<vmem>>
    %dma_start3A_19 = tpu.memref_squeeze %dma_start3A_18 : memref<1x128xi32, #tpu.memory_space<vmem>> -> memref<128xi32, #tpu.memory_space<vmem>>
    %dma_start3A_20 = arith.constant 0 : i32
    %dma_start3A_21 = tpu.memref_slice %arg5[%dma_start3A_20] : memref<100352xf32, #tpu.memory_space<hbm>> -> memref<100352xf32, #tpu.memory_space<hbm>>
    tpu.enqueue_indirect_dma source(%dma_start3A_21 : memref<100352xf32, #tpu.memory_space<hbm>>) target(%dma_start3A_16 : memref<128xf32, #tpu.memory_space<vmem>>) offsets(%dma_start3A_19 : memref<128xi32, #tpu.memory_space<vmem>>) semaphore(%arg14 : memref<!tpu.dma_semaphore, #tpu.memory_space<semaphore_mem>>)
    %dma_start3A_22 = arith.constant 1 : i32
    %dma_start3A_23 = arith.constant 128 : i32
    %dma_start3A_24 = tpu.memref_slice %arg10[%dma_start3A_23] : memref<512xf32, #tpu.memory_space<vmem>> -> memref<128xf32, #tpu.memory_space<vmem>>
    %dma_start3A_25 = arith.constant 0 : i32
    %dma_start3A_26 = tpu.memref_slice %arg8[%dma_start3A_22, %dma_start3A_25] : memref<4x128xi32, #tpu.memory_space<vmem>> -> memref<1x128xi32, #tpu.memory_space<vmem>>
    %dma_start3A_27 = tpu.memref_squeeze %dma_start3A_26 : memref<1x128xi32, #tpu.memory_space<vmem>> -> memref<128xi32, #tpu.memory_space<vmem>>
    %dma_start3A_28 = arith.constant 0 : i32
    %dma_start3A_29 = tpu.memref_slice %arg4[%dma_start3A_28] : memref<1000448xf32, #tpu.memory_space<hbm>> -> memref<1000448xf32, #tpu.memory_space<hbm>>
    tpu.enqueue_indirect_dma source(%dma_start3A_29 : memref<1000448xf32, #tpu.memory_space<hbm>>) target(%dma_start3A_24 : memref<128xf32, #tpu.memory_space<vmem>>) offsets(%dma_start3A_27 : memref<128xi32, #tpu.memory_space<vmem>>) semaphore(%arg14 : memref<!tpu.dma_semaphore, #tpu.memory_space<semaphore_mem>>)
    %dma_start3A_30 = arith.constant 1 : i32
    %dma_start3A_31 = arith.constant 128 : i32
    %dma_start3A_32 = tpu.memref_slice %arg11[%dma_start3A_31] : memref<512xf32, #tpu.memory_space<vmem>> -> memref<128xf32, #tpu.memory_space<vmem>>
    %dma_start3A_33 = arith.constant 0 : i32
    %dma_start3A_34 = tpu.memref_slice %arg9[%dma_start3A_30, %dma_start3A_33] : memref<4x128xi32, #tpu.memory_space<vmem>> -> memref<1x128xi32, #tpu.memory_space<vmem>>
    %dma_start3A_35 = tpu.memref_squeeze %dma_start3A_34 : memref<1x128xi32, #tpu.memory_space<vmem>> -> memref<128xi32, #tpu.memory_space<vmem>>
    %dma_start3A_36 = arith.constant 0 : i32
    %dma_start3A_37 = tpu.memref_slice %arg5[%dma_start3A_36] : memref<100352xf32, #tpu.memory_space<hbm>> -> memref<100352xf32, #tpu.memory_space<hbm>>
    tpu.enqueue_indirect_dma source(%dma_start3A_37 : memref<100352xf32, #tpu.memory_space<hbm>>) target(%dma_start3A_32 : memref<128xf32, #tpu.memory_space<vmem>>) offsets(%dma_start3A_35 : memref<128xi32, #tpu.memory_space<vmem>>) semaphore(%arg14 : memref<!tpu.dma_semaphore, #tpu.memory_space<semaphore_mem>>)
    %dma_start3A_38 = arith.constant 2 : i32
    %dma_start3A_39 = arith.constant 256 : i32
    %dma_start3A_40 = tpu.memref_slice %arg10[%dma_start3A_39] : memref<512xf32, #tpu.memory_space<vmem>> -> memref<128xf32, #tpu.memory_space<vmem>>
    %dma_start3A_41 = arith.constant 0 : i32
    %dma_start3A_42 = tpu.memref_slice %arg8[%dma_start3A_38, %dma_start3A_41] : memref<4x128xi32, #tpu.memory_space<vmem>> -> memref<1x128xi32, #tpu.memory_space<vmem>>
    %dma_start3A_43 = tpu.memref_squeeze %dma_start3A_42 : memref<1x128xi32, #tpu.memory_space<vmem>> -> memref<128xi32, #tpu.memory_space<vmem>>
    %dma_start3A_44 = arith.constant 0 : i32
    %dma_start3A_45 = tpu.memref_slice %arg4[%dma_start3A_44] : memref<1000448xf32, #tpu.memory_space<hbm>> -> memref<1000448xf32, #tpu.memory_space<hbm>>
    tpu.enqueue_indirect_dma source(%dma_start3A_45 : memref<1000448xf32, #tpu.memory_space<hbm>>) target(%dma_start3A_40 : memref<128xf32, #tpu.memory_space<vmem>>) offsets(%dma_start3A_43 : memref<128xi32, #tpu.memory_space<vmem>>) semaphore(%arg14 : memref<!tpu.dma_semaphore, #tpu.memory_space<semaphore_mem>>)
    %dma_start3A_46 = arith.constant 2 : i32
    %dma_start3A_47 = arith.constant 256 : i32
    %dma_start3A_48 = tpu.memref_slice %arg11[%dma_start3A_47] : memref<512xf32, #tpu.memory_space<vmem>> -> memref<128xf32, #tpu.memory_space<vmem>>
    %dma_start3A_49 = arith.constant 0 : i32
    %dma_start3A_50 = tpu.memref_slice %arg9[%dma_start3A_46, %dma_start3A_49] : memref<4x128xi32, #tpu.memory_space<vmem>> -> memref<1x128xi32, #tpu.memory_space<vmem>>
    %dma_start3A_51 = tpu.memref_squeeze %dma_start3A_50 : memref<1x128xi32, #tpu.memory_space<vmem>> -> memref<128xi32, #tpu.memory_space<vmem>>
    %dma_start3A_52 = arith.constant 0 : i32
    %dma_start3A_53 = tpu.memref_slice %arg5[%dma_start3A_52] : memref<100352xf32, #tpu.memory_space<hbm>> -> memref<100352xf32, #tpu.memory_space<hbm>>
    tpu.enqueue_indirect_dma source(%dma_start3A_53 : memref<100352xf32, #tpu.memory_space<hbm>>) target(%dma_start3A_48 : memref<128xf32, #tpu.memory_space<vmem>>) offsets(%dma_start3A_51 : memref<128xi32, #tpu.memory_space<vmem>>) semaphore(%arg14 : memref<!tpu.dma_semaphore, #tpu.memory_space<semaphore_mem>>)
    %dma_start3A_54 = arith.constant 3 : i32
    %dma_start3A_55 = arith.constant 384 : i32
    %dma_start3A_56 = tpu.memref_slice %arg10[%dma_start3A_55] : memref<512xf32, #tpu.memory_space<vmem>> -> memref<128xf32, #tpu.memory_space<vmem>>
    %dma_start3A_57 = arith.constant 0 : i32
    %dma_start3A_58 = tpu.memref_slice %arg8[%dma_start3A_54, %dma_start3A_57] : memref<4x128xi32, #tpu.memory_space<vmem>> -> memref<1x128xi32, #tpu.memory_space<vmem>>
    %dma_start3A_59 = tpu.memref_squeeze %dma_start3A_58 : memref<1x128xi32, #tpu.memory_space<vmem>> -> memref<128xi32, #tpu.memory_space<vmem>>
    %dma_start3A_60 = arith.constant 0 : i32
    %dma_start3A_61 = tpu.memref_slice %arg4[%dma_start3A_60] : memref<1000448xf32, #tpu.memory_space<hbm>> -> memref<1000448xf32, #tpu.memory_space<hbm>>
    tpu.enqueue_indirect_dma source(%dma_start3A_61 : memref<1000448xf32, #tpu.memory_space<hbm>>) target(%dma_start3A_56 : memref<128xf32, #tpu.memory_space<vmem>>) offsets(%dma_start3A_59 : memref<128xi32, #tpu.memory_space<vmem>>) semaphore(%arg14 : memref<!tpu.dma_semaphore, #tpu.memory_space<semaphore_mem>>)
    %dma_start3A_62 = arith.constant 3 : i32
    %dma_start3A_63 = arith.constant 384 : i32
    %dma_start3A_64 = tpu.memref_slice %arg11[%dma_start3A_63] : memref<512xf32, #tpu.memory_space<vmem>> -> memref<128xf32, #tpu.memory_space<vmem>>
    %dma_start3A_65 = arith.constant 0 : i32
    %dma_start3A_66 = tpu.memref_slice %arg9[%dma_start3A_62, %dma_start3A_65] : memref<4x128xi32, #tpu.memory_space<vmem>> -> memref<1x128xi32, #tpu.memory_space<vmem>>
    %dma_start3A_67 = tpu.memref_squeeze %dma_start3A_66 : memref<1x128xi32, #tpu.memory_space<vmem>> -> memref<128xi32, #tpu.memory_space<vmem>>
    %dma_start3A_68 = arith.constant 0 : i32
    %dma_start3A_69 = tpu.memref_slice %arg5[%dma_start3A_68] : memref<100352xf32, #tpu.memory_space<hbm>> -> memref<100352xf32, #tpu.memory_space<hbm>>
    tpu.enqueue_indirect_dma source(%dma_start3A_69 : memref<100352xf32, #tpu.memory_space<hbm>>) target(%dma_start3A_64 : memref<128xf32, #tpu.memory_space<vmem>>) offsets(%dma_start3A_67 : memref<128xi32, #tpu.memory_space<vmem>>) semaphore(%arg14 : memref<!tpu.dma_semaphore, #tpu.memory_space<semaphore_mem>>)
    %dma_wait3A = arith.constant 0 : i32
    %dma_wait3A_70 = arith.constant 0 : i32
    %dma_wait3A_71 = tpu.memref_slice %arg10[%dma_wait3A_70] : memref<512xf32, #tpu.memory_space<vmem>> -> memref<128xf32, #tpu.memory_space<vmem>>
    %dma_wait3A_72 = arith.constant 0 : i32
    %dma_wait3A_73 = tpu.memref_slice %arg8[%dma_wait3A, %dma_wait3A_72] : memref<4x128xi32, #tpu.memory_space<vmem>> -> memref<1x128xi32, #tpu.memory_space<vmem>>
    %dma_wait3A_74 = tpu.memref_squeeze %dma_wait3A_73 : memref<1x128xi32, #tpu.memory_space<vmem>> -> memref<128xi32, #tpu.memory_space<vmem>>
    %dma_wait3A_75 = arith.constant 0 : i32
    %dma_wait3A_76 = tpu.memref_slice %arg4[%dma_wait3A_75] : memref<1000448xf32, #tpu.memory_space<hbm>> -> memref<1000448xf32, #tpu.memory_space<hbm>>
    tpu.wait_indirect_dma semaphore(%arg14 : memref<!tpu.dma_semaphore, #tpu.memory_space<semaphore_mem>>) src(%dma_wait3A_76 : memref<1000448xf32, #tpu.memory_space<hbm>>) dst(%dma_wait3A_71 : memref<128xf32, #tpu.memory_space<vmem>>)
    %dma_wait3A_77 = arith.constant 0 : i32
    %dma_wait3A_78 = arith.constant 0 : i32
    %dma_wait3A_79 = tpu.memref_slice %arg11[%dma_wait3A_78] : memref<512xf32, #tpu.memory_space<vmem>> -> memref<128xf32, #tpu.memory_space<vmem>>
    %dma_wait3A_80 = arith.constant 0 : i32
    %dma_wait3A_81 = tpu.memref_slice %arg9[%dma_wait3A_77, %dma_wait3A_80] : memref<4x128xi32, #tpu.memory_space<vmem>> -> memref<1x128xi32, #tpu.memory_space<vmem>>
    %dma_wait3A_82 = tpu.memref_squeeze %dma_wait3A_81 : memref<1x128xi32, #tpu.memory_space<vmem>> -> memref<128xi32, #tpu.memory_space<vmem>>
    %dma_wait3A_83 = arith.constant 0 : i32
    %dma_wait3A_84 = tpu.memref_slice %arg5[%dma_wait3A_83] : memref<100352xf32, #tpu.memory_space<hbm>> -> memref<100352xf32, #tpu.memory_space<hbm>>
    tpu.wait_indirect_dma semaphore(%arg14 : memref<!tpu.dma_semaphore, #tpu.memory_space<semaphore_mem>>) src(%dma_wait3A_84 : memref<100352xf32, #tpu.memory_space<hbm>>) dst(%dma_wait3A_79 : memref<128xf32, #tpu.memory_space<vmem>>)
    %dma_wait3A_85 = arith.constant 1 : i32
    %dma_wait3A_86 = arith.constant 128 : i32
    %dma_wait3A_87 = tpu.memref_slice %arg10[%dma_wait3A_86] : memref<512xf32, #tpu.memory_space<vmem>> -> memref<128xf32, #tpu.memory_space<vmem>>
    %dma_wait3A_88 = arith.constant 0 : i32
    %dma_wait3A_89 = tpu.memref_slice %arg8[%dma_wait3A_85, %dma_wait3A_88] : memref<4x128xi32, #tpu.memory_space<vmem>> -> memref<1x128xi32, #tpu.memory_space<vmem>>
    %dma_wait3A_90 = tpu.memref_squeeze %dma_wait3A_89 : memref<1x128xi32, #tpu.memory_space<vmem>> -> memref<128xi32, #tpu.memory_space<vmem>>
    %dma_wait3A_91 = arith.constant 0 : i32
    %dma_wait3A_92 = tpu.memref_slice %arg4[%dma_wait3A_91] : memref<1000448xf32, #tpu.memory_space<hbm>> -> memref<1000448xf32, #tpu.memory_space<hbm>>
    tpu.wait_indirect_dma semaphore(%arg14 : memref<!tpu.dma_semaphore, #tpu.memory_space<semaphore_mem>>) src(%dma_wait3A_92 : memref<1000448xf32, #tpu.memory_space<hbm>>) dst(%dma_wait3A_87 : memref<128xf32, #tpu.memory_space<vmem>>)
    %dma_wait3A_93 = arith.constant 1 : i32
    %dma_wait3A_94 = arith.constant 128 : i32
    %dma_wait3A_95 = tpu.memref_slice %arg11[%dma_wait3A_94] : memref<512xf32, #tpu.memory_space<vmem>> -> memref<128xf32, #tpu.memory_space<vmem>>
    %dma_wait3A_96 = arith.constant 0 : i32
    %dma_wait3A_97 = tpu.memref_slice %arg9[%dma_wait3A_93, %dma_wait3A_96] : memref<4x128xi32, #tpu.memory_space<vmem>> -> memref<1x128xi32, #tpu.memory_space<vmem>>
    %dma_wait3A_98 = tpu.memref_squeeze %dma_wait3A_97 : memref<1x128xi32, #tpu.memory_space<vmem>> -> memref<128xi32, #tpu.memory_space<vmem>>
    %dma_wait3A_99 = arith.constant 0 : i32
    %dma_wait3A_100 = tpu.memref_slice %arg5[%dma_wait3A_99] : memref<100352xf32, #tpu.memory_space<hbm>> -> memref<100352xf32, #tpu.memory_space<hbm>>
    tpu.wait_indirect_dma semaphore(%arg14 : memref<!tpu.dma_semaphore, #tpu.memory_space<semaphore_mem>>) src(%dma_wait3A_100 : memref<100352xf32, #tpu.memory_space<hbm>>) dst(%dma_wait3A_95 : memref<128xf32, #tpu.memory_space<vmem>>)
    %dma_wait3A_101 = arith.constant 2 : i32
    %dma_wait3A_102 = arith.constant 256 : i32
    %dma_wait3A_103 = tpu.memref_slice %arg10[%dma_wait3A_102] : memref<512xf32, #tpu.memory_space<vmem>> -> memref<128xf32, #tpu.memory_space<vmem>>
    %dma_wait3A_104 = arith.constant 0 : i32
    %dma_wait3A_105 = tpu.memref_slice %arg8[%dma_wait3A_101, %dma_wait3A_104] : memref<4x128xi32, #tpu.memory_space<vmem>> -> memref<1x128xi32, #tpu.memory_space<vmem>>
    %dma_wait3A_106 = tpu.memref_squeeze %dma_wait3A_105 : memref<1x128xi32, #tpu.memory_space<vmem>> -> memref<128xi32, #tpu.memory_space<vmem>>
    %dma_wait3A_107 = arith.constant 0 : i32
    %dma_wait3A_108 = tpu.memref_slice %arg4[%dma_wait3A_107] : memref<1000448xf32, #tpu.memory_space<hbm>> -> memref<1000448xf32, #tpu.memory_space<hbm>>
    tpu.wait_indirect_dma semaphore(%arg14 : memref<!tpu.dma_semaphore, #tpu.memory_space<semaphore_mem>>) src(%dma_wait3A_108 : memref<1000448xf32, #tpu.memory_space<hbm>>) dst(%dma_wait3A_103 : memref<128xf32, #tpu.memory_space<vmem>>)
    %dma_wait3A_109 = arith.constant 2 : i32
    %dma_wait3A_110 = arith.constant 256 : i32
    %dma_wait3A_111 = tpu.memref_slice %arg11[%dma_wait3A_110] : memref<512xf32, #tpu.memory_space<vmem>> -> memref<128xf32, #tpu.memory_space<vmem>>
    %dma_wait3A_112 = arith.constant 0 : i32
    %dma_wait3A_113 = tpu.memref_slice %arg9[%dma_wait3A_109, %dma_wait3A_112] : memref<4x128xi32, #tpu.memory_space<vmem>> -> memref<1x128xi32, #tpu.memory_space<vmem>>
    %dma_wait3A_114 = tpu.memref_squeeze %dma_wait3A_113 : memref<1x128xi32, #tpu.memory_space<vmem>> -> memref<128xi32, #tpu.memory_space<vmem>>
    %dma_wait3A_115 = arith.constant 0 : i32
    %dma_wait3A_116 = tpu.memref_slice %arg5[%dma_wait3A_115] : memref<100352xf32, #tpu.memory_space<hbm>> -> memref<100352xf32, #tpu.memory_space<hbm>>
    tpu.wait_indirect_dma semaphore(%arg14 : memref<!tpu.dma_semaphore, #tpu.memory_space<semaphore_mem>>) src(%dma_wait3A_116 : memref<100352xf32, #tpu.memory_space<hbm>>) dst(%dma_wait3A_111 : memref<128xf32, #tpu.memory_space<vmem>>)
    %dma_wait3A_117 = arith.constant 3 : i32
    %dma_wait3A_118 = arith.constant 384 : i32
    %dma_wait3A_119 = tpu.memref_slice %arg10[%dma_wait3A_118] : memref<512xf32, #tpu.memory_space<vmem>> -> memref<128xf32, #tpu.memory_space<vmem>>
    %dma_wait3A_120 = arith.constant 0 : i32
    %dma_wait3A_121 = tpu.memref_slice %arg8[%dma_wait3A_117, %dma_wait3A_120] : memref<4x128xi32, #tpu.memory_space<vmem>> -> memref<1x128xi32, #tpu.memory_space<vmem>>
    %dma_wait3A_122 = tpu.memref_squeeze %dma_wait3A_121 : memref<1x128xi32, #tpu.memory_space<vmem>> -> memref<128xi32, #tpu.memory_space<vmem>>
    %dma_wait3A_123 = arith.constant 0 : i32
    %dma_wait3A_124 = tpu.memref_slice %arg4[%dma_wait3A_123] : memref<1000448xf32, #tpu.memory_space<hbm>> -> memref<1000448xf32, #tpu.memory_space<hbm>>
    tpu.wait_indirect_dma semaphore(%arg14 : memref<!tpu.dma_semaphore, #tpu.memory_space<semaphore_mem>>) src(%dma_wait3A_124 : memref<1000448xf32, #tpu.memory_space<hbm>>) dst(%dma_wait3A_119 : memref<128xf32, #tpu.memory_space<vmem>>)
    %dma_wait3A_125 = arith.constant 3 : i32
    %dma_wait3A_126 = arith.constant 384 : i32
    %dma_wait3A_127 = tpu.memref_slice %arg11[%dma_wait3A_126] : memref<512xf32, #tpu.memory_space<vmem>> -> memref<128xf32, #tpu.memory_space<vmem>>
    %dma_wait3A_128 = arith.constant 0 : i32
    %dma_wait3A_129 = tpu.memref_slice %arg9[%dma_wait3A_125, %dma_wait3A_128] : memref<4x128xi32, #tpu.memory_space<vmem>> -> memref<1x128xi32, #tpu.memory_space<vmem>>
    %dma_wait3A_130 = tpu.memref_squeeze %dma_wait3A_129 : memref<1x128xi32, #tpu.memory_space<vmem>> -> memref<128xi32, #tpu.memory_space<vmem>>
    %dma_wait3A_131 = arith.constant 0 : i32
    %dma_wait3A_132 = tpu.memref_slice %arg5[%dma_wait3A_131] : memref<100352xf32, #tpu.memory_space<hbm>> -> memref<100352xf32, #tpu.memory_space<hbm>>
    tpu.wait_indirect_dma semaphore(%arg14 : memref<!tpu.dma_semaphore, #tpu.memory_space<semaphore_mem>>) src(%dma_wait3A_132 : memref<100352xf32, #tpu.memory_space<hbm>>) dst(%dma_wait3A_127 : memref<128xf32, #tpu.memory_space<vmem>>)
    %get3A = arith.constant 0 : index
    %get3A_133 = tpu.vector_load %arg12[%get3A] {strides = array<i32>} : memref<16xf32, #tpu.memory_space<vmem>>, vector<16xf32>,
    %slice3A = vector.extract_strided_slice %get3A_133 {offsets = [0], sizes = [1], strides = [1]} : vector<16xf32> to vector<1xf32>
    %squeeze3A = vector.extract %slice3A[0] : f32 from vector<1xf32>
    %scan3A = arith.constant 0 : i32
    %scan3A_134 = arith.constant 0 : i32
    %scan3A_135 = arith.constant 32 : i32
    %scan3A_136 = arith.addi %scan3A_134, %scan3A_135 : i32
    %scan3A_137 = arith.constant 1 : i32
    scf.for %scan3A_139 = %scan3A_134 to %scan3A_136 step %scan3A_137  : i32 {
      %mul3A_140 = arith.constant 16 : i32
      %mul3A_141 = arith.muli %scan3A_139, %mul3A_140 : i32
      %get3A_142 = arith.index_cast %mul3A_141 : i32 to index
      %get3A_143 = tpu.vector_load %arg10[%get3A_142] {strides = array<i32>} : memref<512xf32, #tpu.memory_space<vmem>>, vector<16xf32>,
      %mul3A_144 = arith.constant 16 : i32
      %mul3A_145 = arith.muli %scan3A_139, %mul3A_144 : i32
      %get3A_146 = arith.index_cast %mul3A_145 : i32 to index
      %get3A_147 = tpu.vector_load %arg11[%get3A_146] {strides = array<i32>} : memref<512xf32, #tpu.memory_space<vmem>>, vector<16xf32>,
      %add3A_148 = arith.addf %get3A_143, %get3A_147 : vector<16xf32>
      %add3A_149 = vector.broadcast %squeeze3A : f32 to vector<16xf32>
      %add3A_150 = arith.addf %add3A_148, %add3A_149 : vector<16xf32>
      %neg3A = arith.constant 0.000000e+00 : f32
      %neg3A_151 = vector.broadcast %neg3A : f32 to vector<16xf32>
      %neg3A_152 = arith.subf %neg3A_151, %add3A_150 : vector<16xf32>
      %exp3A = math.exp %neg3A_152 : vector<16xf32>
      %add3A_153 = arith.constant 1.000000e+00 : f32
      %add3A_154 = vector.broadcast %add3A_153 : f32 to vector<16xf32>
      %add3A_155 = arith.addf %add3A_154, %exp3A : vector<16xf32>
      %div3A = arith.constant 1.000000e+00 : f32
      %div3A_156 = vector.broadcast %div3A : f32 to vector<16xf32>
      %div3A_157 = arith.divf %div3A_156, %add3A_155 : vector<16xf32>
      %mul3A_158 = arith.constant 16 : i32
      %mul3A_159 = arith.muli %scan3A_139, %mul3A_158 : i32
      %swap3A = arith.index_cast %mul3A_159 : i32 to index
      %swap3A_160 = tpu.vector_load %arg13[%swap3A] {strides = array<i32>} : memref<512xf32, #tpu.memory_space<vmem>>, vector<16xf32>,
      tpu.vector_store %arg13[%swap3A], %div3A_157 {strides = array<i32>} : memref<512xf32, #tpu.memory_space<vmem>>, vector<16xf32>,
    }
    %scan3A_138 = arith.constant 32 : i32
    "tpu.region"() ({
      %run_scoped3A = tpu.sem_alloc : memref<!tpu.dma_semaphore, #tpu.memory_space<semaphore_mem>>
      %dma_start3A_139 = tpu.memref_slice %arg7[%mul3A_2] : memref<16384xf32, #tpu.memory_space<hbm>> -> memref<512xf32, #tpu.memory_space<hbm>>
      %dma_start3A_140 = tpu.memref_slice %arg7[%mul3A_2] : memref<16384xf32, #tpu.memory_space<hbm>> -> memref<512xf32, #tpu.memory_space<hbm>>
      tpu.enqueue_dma source(%arg13 : memref<512xf32, #tpu.memory_space<vmem>>) target(%dma_start3A_140 : memref<512xf32, #tpu.memory_space<hbm>>) target_semaphore(%run_scoped3A : memref<!tpu.dma_semaphore, #tpu.memory_space<semaphore_mem>>)
      %dma_wait3A_141 = tpu.memref_slice %arg7[%mul3A_2] : memref<16384xf32, #tpu.memory_space<hbm>> -> memref<512xf32, #tpu.memory_space<hbm>>
      %dma_wait3A_142 = tpu.memref_slice %arg7[%mul3A_2] : memref<16384xf32, #tpu.memory_space<hbm>> -> memref<512xf32, #tpu.memory_space<hbm>>
      tpu.wait_dma2 semaphore(%run_scoped3A : memref<!tpu.dma_semaphore, #tpu.memory_space<semaphore_mem>>) src(%arg13 : memref<512xf32, #tpu.memory_space<vmem>>) dst(%dma_wait3A_142 : memref<512xf32, #tpu.memory_space<hbm>>)
      tpu.yield
    }) : () -> ()
    return
  }
}

module attributes {stable_mosaic.version = 14 : i64} {
  func.func @_proj_body(%arg0: i32, %arg1: memref<32x131072xf32, #tpu.memory_space<vmem>>, %arg2: memref<32x1xf32, #tpu.memory_space<vmem>>, %arg3: memref<131072xf32, #tpu.memory_space<vmem>>) attributes {dimension_semantics = [#tpu.dimension_semantics<arbitrary>], iteration_bounds = array<i64: 1>, scalar_prefetch = 0 : i64, scratch_operands = 0 : i64, tpu.core_type = #tpu.core_type<tc>, window_params = [{transform_indices = @transform_0, window_bounds = array<i64: 32, 131072>}, {pipeline_mode = #tpu.pipeline_mode<synchronous>, transform_indices = @transform_1, window_bounds = array<i64: 32, 1>}, {transform_indices = @transform_2, window_bounds = array<i64: 131072>}]} {
    %get3A = arith.constant 0 : index
    %get3A_0 = arith.constant 0 : index
    %get3A_1 = vector.load %arg1[%get3A, %get3A_0] : memref<32x131072xf32, #tpu.memory_space<vmem>>, vector<32x131072xf32>
    %get3A_2 = arith.constant 0 : index
    %get3A_3 = arith.constant 0 : index
    %get3A_4 = vector.load %arg2[%get3A_2, %get3A_3] : memref<32x1xf32, #tpu.memory_space<vmem>>, vector<32x1xf32>
    %mul3A = vector.broadcast %get3A_4 : vector<32x1xf32> to vector<32x131072xf32>
    %mul3A_5 = arith.mulf %get3A_1, %mul3A : vector<32x131072xf32>
    %reduce_sum3A = arith.constant dense<0.000000e+00> : vector<131072xf32>
    %reduce_sum3A_6 = vector.multi_reduction <add>, %mul3A_5, %reduce_sum3A [0] : vector<32x131072xf32> to vector<131072xf32>
    %swap3A = arith.constant 0 : index
    %swap3A_7 = vector.load %arg3[%swap3A] : memref<131072xf32, #tpu.memory_space<vmem>>, vector<131072xf32>
    tpu.vector_store %arg3[%swap3A], %reduce_sum3A_6 {strides = array<i32>} : memref<131072xf32, #tpu.memory_space<vmem>>, vector<131072xf32>,
    return
  }
  func.func @transform_0(%arg0: i32) -> (i32, i32) {
    %c0_i32 = arith.constant 0 : i32
    %c0_i32_0 = arith.constant 0 : i32
    return %c0_i32, %arg0 : i32, i32
  }
  func.func @transform_1(%arg0: i32) -> (i32, i32) {
    %c0_i32 = arith.constant 0 : i32
    %c0_i32_0 = arith.constant 0 : i32
    %c0_i32_1 = arith.constant 0 : i32
    return %c0_i32, %c0_i32_0 : i32, i32
  }
  func.func @transform_2(%arg0: i32) -> i32 {
    %c0_i32 = arith.constant 0 : i32
    return %arg0 : i32
  }
}

module attributes {stable_mosaic.version = 14 : i64} {
  func.func @_proj_body(%arg0: i32, %arg1: memref<32x131072xf32, #tpu.memory_space<vmem>>, %arg2: memref<32x1xf32, #tpu.memory_space<vmem>>, %arg3: memref<131072xf32, #tpu.memory_space<vmem>>) attributes {dimension_semantics = [#tpu.dimension_semantics<arbitrary>], iteration_bounds = array<i64: 8>, scalar_prefetch = 0 : i64, scratch_operands = 0 : i64, tpu.core_type = #tpu.core_type<tc>, window_params = [{transform_indices = @transform_0, window_bounds = array<i64: 32, 131072>}, {pipeline_mode = #tpu.pipeline_mode<synchronous>, transform_indices = @transform_1, window_bounds = array<i64: 32, 1>}, {transform_indices = @transform_2, window_bounds = array<i64: 131072>}]} {
    %get3A = arith.constant 0 : index
    %get3A_0 = arith.constant 0 : index
    %get3A_1 = vector.load %arg1[%get3A, %get3A_0] : memref<32x131072xf32, #tpu.memory_space<vmem>>, vector<32x131072xf32>
    %get3A_2 = arith.constant 0 : index
    %get3A_3 = arith.constant 0 : index
    %get3A_4 = vector.load %arg2[%get3A_2, %get3A_3] : memref<32x1xf32, #tpu.memory_space<vmem>>, vector<32x1xf32>
    %mul3A = vector.broadcast %get3A_4 : vector<32x1xf32> to vector<32x131072xf32>
    %mul3A_5 = arith.mulf %get3A_1, %mul3A : vector<32x131072xf32>
    %reduce_sum3A = arith.constant dense<0.000000e+00> : vector<131072xf32>
    %reduce_sum3A_6 = vector.multi_reduction <add>, %mul3A_5, %reduce_sum3A [0] : vector<32x131072xf32> to vector<131072xf32>
    %swap3A = arith.constant 0 : index
    %swap3A_7 = vector.load %arg3[%swap3A] : memref<131072xf32, #tpu.memory_space<vmem>>, vector<131072xf32>
    tpu.vector_store %arg3[%swap3A], %reduce_sum3A_6 {strides = array<i32>} : memref<131072xf32, #tpu.memory_space<vmem>>, vector<131072xf32>,
    return
  }
  func.func @transform_0(%arg0: i32) -> (i32, i32) {
    %c0_i32 = arith.constant 0 : i32
    %c0_i32_0 = arith.constant 0 : i32
    return %c0_i32, %arg0 : i32, i32
  }
  func.func @transform_1(%arg0: i32) -> (i32, i32) {
    %c0_i32 = arith.constant 0 : i32
    %c0_i32_0 = arith.constant 0 : i32
    %c0_i32_1 = arith.constant 0 : i32
    return %c0_i32, %c0_i32_0 : i32, i32
  }
  func.func @transform_2(%arg0: i32) -> i32 {
    %c0_i32 = arith.constant 0 : i32
    return %arg0 : i32
  }
}

</mosaic_0001>

<sc_bundles>
// kernel: _recommender.5.cloned.1.call-start
scs
__scs_entry_jumppad:
0x0: {  	(pc) =	sbr.rel $0x88, $3  }
0x1: {  	(tag) =	ssettag $0x0;
	lr =	simm.s32 $0x1  }
0x2: {  	[smem:$0x3F9B] =	sst lr;
	_ =	strace $0xD0000000  }
0x3: {  	_ = 	snop  }
0x4: {  	_ = 	snop  }
0x5: {  	_ = 	snop  }
0x6: {  	_ = 	snop  }
0x7: {  	_ = 	snop  }
__scs_overlays_trampoline_lowered:
0x8: {  	[smem:$0x3FAA] =	sst s0  }
0x9: {  	[smem:$0x3FAB] =	sst s1  }
0xa: {  	[smem:$0x3FAC] =	sst s2  }
0xb: {  	[smem:$0x3FAD] =	sst s3  }
0xc: {  	[smem:$0x3FAE] =	sst s4  }
0xd: {  	[smem:$0x3FAF] =	sst s5  }
0xe: {  	[smem:$0x3FB0] =	sst s6  }
0xf: {  	[smem:$0x3FB1] =	sst s7  }
0x10: {  	[smem:$0x3FB2] =	sst s8  }
0x11: {  	[smem:$0x3FB3] =	sst s9;
	s0 =	simm.s32 @!p0 $0x0  }
0x12: {  	s1 =	sld [smem:$0x3F99];
	s0 =	simm.s32 @p0 $0x1  }
0x13: {  	[smem:$0x3FB4] =	sst s0;
	s0 =	simm.s32 @!p1 $0x0  }
0x14: {  	s2 =	sld [smem:$0x3F98];
	s0 =	simm.s32 @p1 $0x1  }
0x15: {  	[smem:$0x3FB5] =	sst s0;
	s0 =	simm.s32 @!p2 $0x0  }
0x16: {  	s3 =	sld [smem:$0x3FDB];
	s0 =	simm.s32 @p2 $0x1  }
0x17: {  	s4 =	simm.s32 $0x1BF5;
	[smem:$0x3FB7] =	sst s0  }
0x18: {  	s0 =	sld [smem:$0x3F9A];
	_ =	swait.ge [sflag:s4], $0x0  }
0x19: {  	s7 =	sld [smem:$0x3F9B]  }
0x1a: {  	s8 =	sadd.s32 $0xFFFFE003, lr  }
0x1b: {  	s9 =	sadd.s32 $0xFFFFFEF7, lr;
	s5 =	simm.s32 $0xFFFFFFFF;
	p2 =	slt.u32 s8, $0xFFFFF086  }
0x1c: {  	p1 =	slt.u32 s9, $0xF7A;
	s5 =	simm.s32 @!p2 $0x0  }
0x1d: {  	s5 =	simm.s32 @p1 $0x1;
	p0 =	seq.s32 s7, s2  }
0x1e: {  	s7 =	smul.u32 @!p0 $0xF7A, s2;
	p2 =	seq.s32 @!p0 s5, $0x0  }
0x1f: {  	s9 =	smul.u32 $0xF7A, s1;
	s8 =	simm.s32 @!p0 $0x1BF5;
	p2 =	por !p2, p0  }
0x20: {  	[sflag:s8] =	ssyncset.s32 @!p0 $0xFFFFF086;
	s6 =	sadd.s32 @!p0 s3, s7;
	s7 =	simm.s32 @!p0 $0x108  }
0x21: {  	s3 =	sadd.s32 s3, s9;
	s6 =	sadd.s32 @!p0 $0x88, s6;
	s7 =	simm.s32 @p2 $0x1082  }
0x22: {  	[simem:s7], [sflag:s8] =	dma.local @!p0 [hbm:s6], $0xF7A  }
0x23: {  	s9 =	sor.u32 $0xD0000000, s2;
	s6 =	simm.s32 $0x108;
	_ =	swait.ge @!p0 [sflag:s8], $0x0  }
0x24: {  	s3 =	sadd.s32 $0x88, s3;
	s6 =	simm.s32 @!p1 $0x1082;
	[sflag:s4] =	ssyncset.s32 $0xFFFFF086  }
0x25: {  	[simem:s6], [sflag:s4] =	dma.local [hbm:s3], $0xF7A  }
0x26: {  	[smem:$0x3F9B] =	sst s1;
	(tag) =	ssettag s2;
	_ =	strace s9  }
0x27: {  	s1 =	sld [smem:$0x3FAB]  }
0x28: {  	s2 =	sld [smem:$0x3FAC]  }
0x29: {  	s4 =	sld [smem:$0x3FAE]  }
0x2a: {  	p0 =	seq.s32 s5, $0x0;
	s5 =	sld [smem:$0x3FAF]  }
0x2b: {  	s6 =	sld [smem:$0x3FB0]  }
0x2c: {  	s7 =	sld [smem:$0x3FB1]  }
0x2d: {  	s3 =	simm.s32 $0x108;
	s8 =	sld [smem:$0x3FB2]  }
0x2e: {  	s3 =	simm.s32 @!p0 $0x1082;
	s9 =	sld [smem:$0x3FB3]  }
0x2f: {  	lr =	sadd.s32 s0, s3;
	s0 =	sld [smem:$0x3FAA]  }
0x30: {  	s3 =	sld [smem:$0x3FAD]  }
0x31: {  	[smem:$0x3FB6] =	sst s10  }
0x32: {  	s10 =	sld [smem:$0x3FB4];
	_ =	sdelay $0x3  }
0x33: {  	p0 =	seq.s32 s10, $0x1;
	s10 =	sld [smem:$0x3FB6];
	_ =	sdelay $0x3  }
0x34: {  	[smem:$0x3FB6] =	sst s10  }
0x35: {  	s10 =	sld [smem:$0x3FB5];
	_ =	sdelay $0x3  }
0x36: {  	p1 =	seq.s32 s10, $0x1;
	s10 =	sld [smem:$0x3FB6];
	_ =	sdelay $0x3  }
0x37: {  	[smem:$0x3FB6] =	sst s10  }
0x38: {  	s10 =	sld [smem:$0x3FB7]  }
0x39: {  	_ = 	snop;
	(pc) =	sbr.ind lr, $3  }
0x3a: {  	_ = 	snop  }
0x3b: {  	_ = 	snop  }
0x3c: {  	p2 =	seq.s32 s10, $0x1;
	s10 =	sld [smem:$0x3FB6]  }
0x3d: {  	_ =	shalt  }
0x3e: {  	_ =	shalt  }
0x3f: {  	_ =	shalt  }
0x40: {  	_ =	shalt  }
0x41: {  	_ =	shalt  }
0x42: {  	_ =	shalt  }
0x43: {  	_ =	shalt  }
0x44: {  	_ =	shalt  }
0x45: {  	_ =	shalt  }
0x46: {  	_ =	shalt  }
0x47: {  	_ =	shalt  }
0x48: {  	_ =	shalt  }
0x49: {  	_ =	shalt  }
0x4a: {  	_ =	shalt  }
0x4b: {  	_ =	shalt  }
0x4c: {  	_ =	shalt  }
0x4d: {  	_ =	shalt  }
0x4e: {  	_ =	shalt  }
0x4f: {  	_ =	shalt  }
0x50: {  	_ =	shalt  }
0x51: {  	_ =	shalt  }
0x52: {  	_ =	shalt  }
0x53: {  	_ =	shalt  }
0x54: {  	_ =	shalt  }
0x55: {  	_ =	shalt  }
0x56: {  	_ =	shalt  }
0x57: {  	_ =	shalt  }
0x58: {  	_ =	shalt  }
0x59: {  	_ =	shalt  }
0x5a: {  	_ =	shalt  }
0x5b: {  	_ =	shalt  }
0x5c: {  	_ =	shalt  }
0x5d: {  	_ =	shalt  }
0x5e: {  	_ =	shalt  }
0x5f: {  	_ =	shalt  }
0x60: {  	_ =	shalt  }
0x61: {  	_ =	shalt  }
0x62: {  	_ =	shalt  }
0x63: {  	_ =	shalt  }
0x64: {  	_ =	shalt  }
0x65: {  	_ =	shalt  }
0x66: {  	_ =	shalt  }
0x67: {  	_ =	shalt  }
0x68: {  	_ =	shalt  }
0x69: {  	_ =	shalt  }
0x6a: {  	_ =	shalt  }
0x6b: {  	_ =	shalt  }
0x6c: {  	_ =	shalt  }
0x6d: {  	_ =	shalt  }
0x6e: {  	_ =	shalt  }
0x6f: {  	_ =	shalt  }
0x70: {  	_ =	shalt  }
0x71: {  	_ =	shalt  }
0x72: {  	_ =	shalt  }
0x73: {  	_ =	shalt  }
0x74: {  	_ =	shalt  }
0x75: {  	_ =	shalt  }
0x76: {  	_ =	shalt  }
0x77: {  	_ =	shalt  }
0x78: {  	_ =	shalt  }
0x79: {  	_ =	shalt  }
0x7a: {  	_ =	shalt  }
0x7b: {  	_ =	shalt  }
0x7c: {  	_ =	shalt  }
0x7d: {  	_ =	shalt  }
0x7e: {  	_ =	shalt  }
0x7f: {  	_ =	shalt  }
0x80: {  	_ =	shalt  }
0x81: {  	_ =	shalt  }
0x82: {  	_ =	shalt  }
0x83: {  	_ =	shalt  }
0x84: {  	_ =	shalt  }
0x85: {  	_ =	shalt  }
0x86: {  	_ =	shalt  }
0x87: {  	_ =	shalt  }
.Lfunc_end0:
.L_simem_size_0:
called_computation_lowered:
.L_overlay_start_0:
0x88: {  	s2 =	sld [smem:$0x3FD9]  }
0x89: {  	s3 =	sld [smem:$0x3FFE];
	_ =	sdelay $0x1  }
0x8a: {  	s1 =	srdreg.scid  }
0x8b: {  	s0 =	sand.u32 $0x1, s1  }
0x8c: {  	s17 =	sshll.u32 s0, $0xA;
	s2 =	sadd.s32 s3, s2  }
0x8d: {  	s2 =	sadd.s32 s2, s17  }
0x8e: {  	[smem:$0x3FC2] =	sst s2  }
0x8f: {  	_ = 	snop  }
0x90: {  	s2 =	sld [smem:$0x3FC9]  }
0x91: {  	s18 =	sld [smem:$0x3FC8]  }
0x92: {  	s4 =	sld [smem:$0x3FD0];
	(tm) =	ssettm $0x1  }
0x93: {  	s5 =	sld [smem:$0x3FFB];
	_ =	sdelay $0x3  }
0x94: {  	_ =	strace s5  }
0x95: {  	s5 =	sld [smem:$0x3FFC];
	_ =	sdelay $0x3  }
0x96: {  	_ =	strace s5  }
0x97: {  	s5 =	sld [smem:$0x3FFD];
	_ =	sdelay $0x3  }
0x98: {  	_ =	strace s5  }
0x99: {  	_ =	strace $0x8FFFFFFF  }
0x9a: {  	s19 =	sld [smem:$0x3FDB];
	_ =	sdelay $0x1  }
0x9b: {  	s6 =	simm.s32 $_scs_section_size  }
0x9c: {  	s7 =	simm.s32 $_size__tile_overlayer_lowered;
	s8 =	simm.s32 $_tile_overlayer_lowered  }
0x9d: {  	s22 =	simm.s32 $0x1BFF;
	s21 =	sshll.u32 s8, $0x1;
	s5 =	sadd.s32 s6, s19  }
0x9e: {  	s9 =	simm.s32 $0x0;
	s20 =	sshll.u32 s7, $0x1;
	s7 =	sadd.s32 s21, s5  }
0x9f: {  	[timem:s9], [sflag:s22] =	dma.local [hbm:s7], s20  }
0xa0: {  	_ =	swait.ge [sflag:s22], s20  }
0xa1: {  	s6 =	ssub.s32 $0x0, s20;
	[sflag:s22] =	ssyncset.done $0x0  }
0xa2: {  	[sflag:s22] =	ssyncadd.s32 s6;
	_ =	sdelay $0x1  }
0xa3: {  	s23 =	simm.s32 $0x1B8B  }
0xa4: {  	_ =	swait.ge [sflag:s23], $0x1  }
0xa5: {  	[sflag:s23] =	ssyncset.done $0x0  }
0xa6: {  	s25 =	simm.s32 $0x1B8E;
	s24 =	sld [smem:$0x3FFE];
	[sflag:s23] =	ssyncadd.s32 $0xFFFFFFFF  }
0xa7: {  	s26 =	simm.s32 $execute0_lowered;
	[smem:$0x3FD2] =	sst s25  }
0xa8: {  	s7 =	sshll.u32 s26, $0x1;
	_ =	strace $0x80000046;
	[dreg:$0x1] =	wrdreg $0xFFFFFFFF  }
0xa9: {  	s28 =	simm.s32 $_size_execute0_lowered;
	s5 =	sadd.s32 s5, s7;
	[dreg:$0x0] =	wrdreg $0x0  }
0xaa: {  	s7 =	sshll.u32 s28, $0x1;
	[dreg:$0x2] =	wrdreg s5  }
0xab: {  	[dreg:$0x3] =	wrdreg s7  }
0xac: {  	[dreg:$0x4] =	wrdreg $0xC0  }
0xad: {  	_ =	task [dreg:s9], $0x5FFFF  }
0xae: {  	[dreg:$0x1] =	wrdreg $0xFFFFFFFF  }
0xaf: {  	[dreg:$0x0] =	wrdreg $0x60  }
0xb0: {  	[dreg:$0x2] =	wrdreg s2  }
0xb1: {  	[dreg:$0x3] =	wrdreg s18  }
0xb2: {  	[dreg:$0x4] =	wrdreg s24  }
0xb3: {  	[dreg:$0x5] =	wrdreg s4  }
0xb4: {  	[dreg:$0x6] =	wrdreg $0x9  }
0xb5: {  	_ =	task.clear_ibuf [dreg:s9], $0x7FFFF;
	_ =	strace $0x90000046  }
0xb6: {  	s29 =	simm.s32 $0x9;
	_ =	strace $0x80000048  }
0xb7: {  	_ =	swait.ge [sflag:s29], $0x1  }
0xb8: {  	[sflag:s29] =	ssyncadd.s32 $0xFFFFFFFF  }
0xb9: {  	_ =	strace $0x90000048  }
0xba: {  	_ =	sfence  }
0xbb: {  	s30 =	sld [smem:$0x0];
	_ =	sdelay $0x2  }
0xbc: {  	s31 =	sshll.u32 s1, $0xD;
	s1 =	sshrl.u32 s1, $0x2  }
0xbd: {  	s3 =	sand.u32 $0x4000, s31;
	s1 =	sadd.s32 s1, s30  }
0xbe: {  	s0 =	sor.u32 s3, s0;
	s1 =	sshll.u32 s1, $0x11  }
0xbf: {  	s0 =	sor.u32 s1, s0  }
0xc0: {  	s0 =	sadd.s32 $0x8F2B, s0  }
0xc1: {  	[sflag:s0] =	ssyncadd.remote.s32 $0x1  }
0xc2: {  	_ =	sfence.sel $0xFFFF  }
0xc3: {  	[dreg:$0x0] =	wrdreg $0xFFFFFFFF;
	(pc) =	sbr.abs _section_cstart, $3  }
0xc4: {  	[dreg:$0x1] =	wrdreg $0xFFFFFFFF  }
0xc5: {  	_ =	task.clear_ibuf [dreg:s9], $0x2FFFF;
	_ =	strace $0x9FFFFFFF  }
0xc6: {  	(tm) =	ssettm $0x7FFFFFFF  }
0xc7: {  	_ =	shalt  }
tec
execute0_lowered:
.L_overlay_start_1:
0x0: {  	(tag) =	ssettag $0x1  }
0x1: {  	s0 =	rddreg [dreg:$0x0]  }
0x2: {  	s2 =	rddreg [dreg:$0x1]  }
0x3: {  	s5 =	rddreg [dreg:$0x2]  }
0x4: {  	s8 =	rddreg [dreg:$0x3];
	s1 =	simm.s32 $0x0  }
0x5: {  	s4 =	srdreg.scid;
	s10 =	stileid.u32;
	s11 =	simm.s32 $0x200  }
0x6: {  	s13 =	simm.s32 $0x80;
	s18 =	simm.s32 $0x680;
	s19 =	simm.s32 $0x100  }
0x7: {  	s20 =	simm.s32 $0x500;
	s21 =	simm.s32 $0x300;
	s22 =	simm.s32 $0x700  }
0x8: {  	s23 =	simm.s32 $0x180;
	s24 =	simm.s32 $0x580;
	s25 =	simm.s32 $0x380  }
0x9: {  	s26 =	simm.s32 $0x780;
	s28 =	simm.s32 $0x1;
	s29 =	simm.s32 $0x810  }
0xa: {  	s30 =	simm.s32 $0x0;
	[smem:$0x7FF] =	sst s1;
	s3 =	sadd.s32 $0x3C00, s5  }
0xb: {  	s6 =	sand.u32 $0x1, s4;
	s4 =	sadd.s32 $0xA00, s5;
	s10 =	sshll.u32 s10, $0x7  }
0xc: {  	s5 =	sadd.s32 $0x800, s5;
	s7 =	ssub.s32 $0x2, s6;
	s6 =	sshll.u32 s6, $0x6  }
0xd: {  	_ =	strace $0x80000047;
	s9 =	sshrl.u32 s7, $0x1;
	s10 =	sor.u32 s6, s10  }
0xe: {  	s9 =	ssub.s32 s7, s9;
	s6 =	sadd.s32 s0, s10;
	s7 =	sadd.s32 s2, s10  }
0xf: {  	s8 =	sadd.s32 s8, s10;
	s10 =	simm.s32 $0x2;
	s9 =	smax.u32 s9, $0x1  }
.LBB2_1:
0x10: {  	[tilespmem:s1], [sflag:$0x2] =	stream.linear.gather [hbm4b:s6+s1], $0x200, $0x38;
	[tilespmem:$0xA10] =	vst v63  }
0x11: {  	_ =	swait.ge [sflag:s10], $0x200  }
0x12: {  	[sflag:s10] =	ssyncset.done $0x0  }
0x13: {  	[sflag:s10] =	ssyncadd.s32 $0xFFFFFE00  }
0x14: {  	[tilespmem:s11], [sflag:$0x2] =	stream.linear.gather [hbm4b:s7+s1], $0x200, $0x38;
	[tilespmem:$0xA10] =	vst v63  }
0x15: {  	_ =	swait.ge [sflag:s10], $0x200  }
0x16: {  	[sflag:s10] =	ssyncset.done $0x0  }
0x17: {  	s0 =	simm.s32 $0x800;
	[sflag:s10] =	ssyncadd.s32 $0xFFFFFE00  }
0x18: {  	[tilespmem:s0], [sflag:$0x2] =	stream.linear.gather [hbm4b:s5+s1], $0x10, $0x38;
	[tilespmem:$0xA10] =	vst v63  }
0x19: {  	_ =	swait.ge [sflag:s10], $0x10  }
0x1a: {  	[sflag:s10] =	ssyncset.done $0x0  }
0x1b: {  	s14 =	simm.s32 $0x400;
	[sflag:s10] =	ssyncadd.s32 $0xFFFFFFF0  }
0x1c: {  	[tilespmem:s14], [sflag:$0x1] =	stream.indirect.gather [hbm4b:s3+s13], $0x1, s1, s13, $0xb8;
	[tilespmem:$0xA10] =	vst v63  }
0x1d: {  	s15 =	simm.s32 $0x600  }
0x1e: {  	[tilespmem:s15], [sflag:$0x1] =	stream.indirect.gather [hbm4b:s4+s13], $0x1, s11, s13, $0xb8;
	[tilespmem:$0xA10] =	vst v63  }
0x1f: {  	s16 =	simm.s32 $0x480  }
0x20: {  	[tilespmem:s16], [sflag:$0x1] =	stream.indirect.gather [hbm4b:s3+s13], $0x1, s13, s13, $0xb8;
	[tilespmem:$0xA10] =	vst v63  }
0x21: {  	s17 =	simm.s32 $0x280  }
0x22: {  	[tilespmem:s18], [sflag:$0x1] =	stream.indirect.gather [hbm4b:s4+s13], $0x1, s17, s13, $0xb8;
	[tilespmem:$0xA10] =	vst v63  }
0x23: {  	_ = 	snop  }
0x24: {  	[tilespmem:s20], [sflag:$0x1] =	stream.indirect.gather [hbm4b:s3+s13], $0x1, s19, s13, $0xb8;
	[tilespmem:$0xA10] =	vst v63  }
0x25: {  	_ = 	snop  }
0x26: {  	[tilespmem:s22], [sflag:$0x1] =	stream.indirect.gather [hbm4b:s4+s13], $0x1, s21, s13, $0xb8;
	[tilespmem:$0xA10] =	vst v63  }
0x27: {  	_ = 	snop  }
0x28: {  	[tilespmem:s24], [sflag:$0x1] =	stream.indirect.gather [hbm4b:s3+s13], $0x1, s23, s13, $0xb8;
	[tilespmem:$0xA10] =	vst v63  }
0x29: {  	_ = 	snop  }
0x2a: {  	[tilespmem:s26], [sflag:$0x1] =	stream.indirect.gather [hbm4b:s4+s13], $0x1, s25, s13, $0xb8;
	[tilespmem:$0xA10] =	vst v63  }
0x2b: {  	_ =	swait.ge [sflag:s28], $0x80  }
0x2c: {  	[sflag:s28] =	ssyncset.done $0x0  }
0x2d: {  	[sflag:s28] =	ssyncadd.s32 $0xFFFFFF80  }
0x2e: {  	_ =	swait.ge [sflag:s28], $0x80  }
0x2f: {  	[sflag:s28] =	ssyncset.done $0x0  }
0x30: {  	[sflag:s28] =	ssyncadd.s32 $0xFFFFFF80  }
0x31: {  	_ =	swait.ge [sflag:s28], $0x80  }
0x32: {  	[sflag:s28] =	ssyncset.done $0x0  }
0x33: {  	[sflag:s28] =	ssyncadd.s32 $0xFFFFFF80  }
0x34: {  	_ =	swait.ge [sflag:s28], $0x80  }
0x35: {  	[sflag:s28] =	ssyncset.done $0x0  }
0x36: {  	[sflag:s28] =	ssyncadd.s32 $0xFFFFFF80  }
0x37: {  	_ =	swait.ge [sflag:s28], $0x80  }
0x38: {  	[sflag:s28] =	ssyncset.done $0x0  }
0x39: {  	[sflag:s28] =	ssyncadd.s32 $0xFFFFFF80  }
0x3a: {  	_ =	swait.ge [sflag:s28], $0x80  }
0x3b: {  	[sflag:s28] =	ssyncset.done $0x0  }
0x3c: {  	[sflag:s28] =	ssyncadd.s32 $0xFFFFFF80  }
0x3d: {  	_ =	swait.ge [sflag:s28], $0x80  }
0x3e: {  	[sflag:s28] =	ssyncset.done $0x0  }
0x3f: {  	[sflag:s28] =	ssyncadd.s32 $0xFFFFFF80  }
0x40: {  	_ =	swait.ge [sflag:s28], $0x80  }
0x41: {  	[sflag:s28] =	ssyncset.done $0x0  }
0x42: {  	s31 =	simm.s32 $0x0;
	[sflag:s28] =	ssyncadd.s32 $0xFFFFFF80  }
0x43: {  	v1 =	vld [tilespmem:s31+$0x400]  }
0x44: {  	v2 =	vld [tilespmem:s31+$0x600]  }
0x45: {  	s0 =	simm.s32 $0x10;
	v0 =	vld.msk [tilespmem:$0x800 ss:$0x0], $0xffff  }
0x46: {  	v3 =	vld [tilespmem:s0+$0x400]  }
0x47: {  	v4 =	vld [tilespmem:s0+$0x600];
	_ =	sdelay $0x1  }
0x48: {  	v1 =	vadd.f32 v2, v1;
	_ =	sdelay $0x1  }
0x49: {  	v1 =	vadd.f32 v1, v0  }
0x4a: {  	v2 =	vadd.f32 v4, v3  }
0x4b: {  	s2 =	simm.s32 $0x20;
	v1 =	vsub.f32 $0.0e+00, v1  }
0x4c: {  	v3 =	vld [tilespmem:s2+$0x400];
	v2 =	vadd.f32 v2, v0  }
0x4d: {  	v4 =	vld [tilespmem:s2+$0x600];
	v1 =	vmul.f32 $1.442695020e+00, v1  }
0x4e: {  	v2 =	vsub.f32 $0.0e+00, v2  }
0x4f: {  	s12 =	simm.s32 $0x30;
	(erf) = vpow2.f32 v1  }
0x50: {  	v5 =	vld [tilespmem:s12+$0x400];
	v1 =	vmul.f32 $1.442695020e+00, v2  }
0x51: {  	v2 =	vld [tilespmem:s12+$0x600]  }
0x52: {  	(erf) = vpow2.f32 v1;
	v1 =	vadd.f32 v4, v3;
	_ =	sdelay $0x1  }
0x53: {  	v1 =	vadd.f32 v1, v0;
	_ =	sdelay $0x1  }
0x54: {  	s14 =	simm.s32 $0x40;
	v2 =	vadd.f32 v2, v5;
	v1 =	vsub.f32 $0.0e+00, v1  }
0x55: {  	v3 =	vld [tilespmem:s14+$0x400]  }
0x56: {  	v4 =	vld [tilespmem:s14+$0x600];
	v2 =	vadd.f32 v2, v0;
	v1 =	vmul.f32 $1.442695020e+00, v1;
	v5 =	vpop (erf)  }
0x57: {  	v5 =	vadd.f32 $1.000000000e+00, v5  }
0x58: {  	v2 =	vsub.f32 $0.0e+00, v2;
	(erf) = vpow2.f32 v1  }
0x59: {  	(erf) = vrcp.f32 v5  }
0x5a: {  	v2 =	vmul.f32 $1.442695020e+00, v2;
	v1 =	vpop (erf)  }
0x5b: {  	s15 =	simm.s32 $0x50;
	v3 =	vadd.f32 v4, v3;
	v4 =	vadd.f32 $1.000000000e+00, v1  }
0x5c: {  	v1 =	vld [tilespmem:s15+$0x400];
	(erf) = vpow2.f32 v2  }
0x5d: {  	v2 =	vld [tilespmem:s15+$0x600];
	(erf) = vrcp.f32 v4  }
0x5e: {  	v3 =	vadd.f32 v3, v0;
	_ =	sdelay $0x1  }
0x5f: {  	s16 =	simm.s32 $0x180;
	v3 =	vsub.f32 $0.0e+00, v3  }
.LBB2_2:
0x60: {  	s17 =	sshra.s32 s16, $0x2;
	v4 =	vpop (erf);
	p0 =	sne.s32 s16, $0x7C0  }
.Ltmp0:
0x61: {  	v5 =	vadd.f32 v2, v1;
	v1 =	vld [tilespmem:s17+$0x400];
	v3 =	vmul.f32 $1.442695020e+00, v3;
	v6 =	vpop (erf);
	(pc) =	sbr.rel @p0 .LBB2_2-.Ltmp0, $4  }
0x62: {  	s16 =	sadd.s32 $0x40, s16;
	v4 =	vadd.f32 $1.000000000e+00, v4;
	v2 =	vld [tilespmem:s17+$0x600];
	[tilespmem:s31+$0x810] =	vst v6;
	s31 =	smov.u32 s0  }
0x63: {  	s0 =	smov.u32 s2;
	s2 =	smov.u32 s12;
	s12 =	smov.u32 s14;
	v5 =	vadd.f32 v5, v0;
	(erf) = vpow2.f32 v3  }
0x64: {  	s14 =	smov.u32 s15;
	s15 =	smov.u32 s17;
	(erf) = vrcp.f32 v4  }
0x65: {  	v3 =	vsub.f32 $0.0e+00, v5  }
0x66: {  	_ = 	snop  }
0x67: {  	v1 =	vadd.f32 v2, v1;
	_ =	sdelay $0x1  }
0x68: {  	v0 =	vadd.f32 v1, v0;
	_ =	sdelay $0x1  }
0x69: {  	v54 =	vpop (erf);
	v55 =	vmul.f32 $1.442695020e+00, v3;
	v0 =	vsub.f32 $0.0e+00, v0  }
0x6a: {  	v1 =	vadd.f32 $1.000000000e+00, v54  }
0x6b: {  	(erf) = vpow2.f32 v55;
	v0 =	vmul.f32 $1.442695020e+00, v0  }
0x6c: {  	(erf) = vrcp.f32 v1  }
0x6d: {  	(erf) = vpow2.f32 v0;
	_ =	sdelay $0x3  }
0x6e: {  	v56 =	vpop (erf)  }
0x6f: {  	v57 =	vpop (erf)  }
0x70: {  	v58 =	vpop (erf)  }
0x71: {  	v59 =	vpop (erf)  }
0x72: {  	v1 =	vadd.f32 $1.000000000e+00, v57;
	v4 =	vpop (erf)  }
0x73: {  	v3 =	vadd.f32 $1.000000000e+00, v59;
	v5 =	vpop (erf)  }
0x74: {  	(erf) = vrcp.f32 v1;
	v60 =	vadd.f32 $1.000000000e+00, v5  }
0x75: {  	(erf) = vrcp.f32 v3  }
0x76: {  	(erf) = vrcp.f32 v60;
	_ =	sdelay $0x4  }
0x77: {  	[tilespmem:s31+$0x810] =	vst v56  }
0x78: {  	[tilespmem:s0+$0x810] =	vst v58  }
0x79: {  	[tilespmem:s2+$0x810] =	vst v4;
	v61 =	vpop (erf)  }
0x7a: {  	s30 =	sadd.s32 $0x1, s30;
	[tilespmem:s12+$0x810] =	vst v61;
	v62 =	vpop (erf)  }
0x7b: {  	p0 =	sne.s32 s30, s9;
	[tilespmem:s14+$0x810] =	vst v62;
	v63 =	vpop (erf)  }
.Ltmp1:
0x7c: {  	[tilespmem:s15+$0x810] =	vst v63;
	(pc) =	sbr.rel @p0 .LBB2_1-.Ltmp1, $4  }
0x7d: {  	[hbm4b:s8+s1] =	stream.linear.scatter [tilespmem:s29], [sflag:$0x2], $0x200, $0x38;
	[tilespmem:$0xA10] =	vst v63  }
0x7e: {  	_ =	swait.ge [sflag:s10], $0x200  }
0x7f: {  	[sflag:s10] =	ssyncset.done $0x0  }
0x80: {  	[sflag:s10] =	ssyncadd.s32 $0xFFFFFE00  }
0x81: {  	_ =	sfence.sel $0x180000  }
0x82: {  	[bflag:$0x0] =	sbarrier.arrive $0xFFFF  }
0x83: {  	_ =	strace $0x90000047  }
0x84: {  	s0 =	stileid.u32;
	[bflag:$0x2] =	sbarrier.arrive $0xFFFF  }
0x85: {  	p0 =	sne.s32 s0, $0x0;
	s0 =	rddreg [dreg:$0x4]  }
0x86: {  	s0 =	sadd.s32 @!p0 $0x100000, s0  }
0x87: {  	[sflag:s0] =	ssyncadd.tile.s32 @!p0 $0x1;
	_ =	shalt  }
.Lfunc_end2:
_tile_overlayer_lowered:
.L_overlay_start_2:
0x88: {  	(tag) =	ssettag $0x2  }
0x89: {  	s0 =	rddreg [dreg:$0x0];
	s2 =	stileid.u32  }
0x8a: {  	s1 =	rddreg [dreg:$0x1];
	p0 =	sne.s32 s2, $0x0  }
0x8b: {  	s3 =	rddreg [dreg:$0x2];
	[bflag:$0x3] =	sbarrier.arrive $0xFFFF;
	s2 =	simm.s32 @!p0 $0x1C02  }
0x8c: {  	[timem:s3], [sflag:s2] =	dma.local @!p0 [hbm:s0], s1  }
0x8d: {  	s0 =	simm.s32 @!p0 $0x2  }
0x8e: {  	_ =	swait.ge @!p0 [sflag:s0], s1  }
0x8f: {  	s1 =	ssub.s32 @!p0 $0x0, s1;
	[sflag:s0] =	ssyncset.done @!p0 $0x0  }
0x90: {  	[sflag:s0] =	ssyncadd.s32 @!p0 s1  }
0x91: {  	[bflag:$0x3] =	sbarrier.arrive $0xFFFF  }
0x92: {  	_ =	shalt  }

</sc_bundles>
